<compile_context>
chip_gen: v7x
topology: tpu7x:2x2x1
jax: 0.10.2.dev20260603
libtpu: 0.0.44.dev20260713+nightly
codegen_flags: <defaults>
</compile_context>

<pallas_src>
import functools

import jax
import jax.numpy as jnp
from jax import lax
from jax.experimental import pallas as pl
from jax.experimental.pallas import tpu as pltpu
from jax.experimental.pallas import tpu_sc as plsc

_NE = 1024
_D = 64
_B = 32
_L = 576
_N = _B * _L
_CC = 0.1

_NW = 32
_BPW = _N // _NW
_CHUNKS = 6
_CG = _BPW // _CHUNKS


def _vq_body(x_ref, e_ref, e2_ref, jcol_ref, idx_ref, loss_ref,
             perp_ref, cnt_ref, kl_ref):
    b = pl.program_id(0)

    @pl.when(b == 0)
    def _init():
        cnt_ref[...] = jnp.zeros_like(cnt_ref)
        kl_ref[...] = jnp.zeros_like(kl_ref)

    x = x_ref[0]
    e = e_ref[...]
    e2 = e2_ref[...]
    x2 = jnp.sum(x * x, axis=0)
    scores_m2 = jax.lax.dot_general(
        e * -2.0, x, dimension_numbers=(((1,), (0,)), ((), ())),
        preferred_element_type=jnp.float32)
    dist = (x2[None, :] + e2) + scores_m2
    jcol = jcol_ref[...]
    m = jnp.min(dist, axis=0)
    idx_f = jnp.min(jnp.where(dist == m[None, :], jcol, float(_NE)),
                    axis=0)
    idx = idx_f.astype(jnp.int32)

    onehot = (jcol == idx_f[None, :]).astype(jnp.float32)
    q = jax.lax.dot_general(
        e, onehot, dimension_numbers=(((0,), (0,)), ((), ())),
        preferred_element_type=jnp.float32)

    idx_ref[0, 0] = idx
    cnt_ref[...] += jnp.sum(onehot, axis=1, keepdims=True)

    sm_x = jax.nn.softmax(x, axis=0)
    sm_q = jax.nn.softmax(q, axis=0)
    kl_ref[...] += jnp.sum(sm_x * (jnp.log(sm_x) - sm_q)).reshape(1, 1)

    @pl.when(b == _B - 1)
    def _fin():
        loss_ref[...] = _CC * kl_ref[...] / _B
        p = cnt_ref[...] / _N
        perp_ref[...] = jnp.exp(-jnp.sum(p * jnp.log(p + 1e-10))).reshape(1, 1)


def _vq_call(inputs, embedding_weight, e2, jcol):
    return pl.pallas_call(
        _vq_body,
        grid=(_B,),
        in_specs=[
            pl.BlockSpec((1, _D, _L), lambda b: (b, 0, 0)),
            pl.BlockSpec((_NE, _D), lambda b: (0, 0)),
            pl.BlockSpec((_NE, 1), lambda b: (0, 0)),
            pl.BlockSpec((_NE, 1), lambda b: (0, 0)),
        ],
        out_specs=[
            pl.BlockSpec((1, 1, _L), lambda b: (b, 0, 0)),
            pl.BlockSpec((1, 1), lambda b: (0, 0)),
            pl.BlockSpec((1, 1), lambda b: (0, 0)),
        ],
        out_shape=[
            jax.ShapeDtypeStruct((_B, 1, _L), jnp.int32),
            jax.ShapeDtypeStruct((1, 1), jnp.float32),
            jax.ShapeDtypeStruct((1, 1), jnp.float32),
        ],
        scratch_shapes=[
            pltpu.VMEM((_NE, 1), jnp.float32),
            pltpu.VMEM((1, 1), jnp.float32),
        ],
    )(inputs, embedding_weight, e2, jcol)


@functools.partial(
    pl.kernel,
    out_type=jax.ShapeDtypeStruct((_N, _D), jnp.float32),
    mesh=plsc.VectorSubcoreMesh(core_axis_name="c", subcore_axis_name="s"),
    compiler_params=pltpu.CompilerParams(use_tc_tiling_on_sc=False),
    scratch_types=[
        pltpu.VMEM((_BPW,), jnp.int32),
        pltpu.VMEM((_BPW, _D), jnp.float32),
        pltpu.SemaphoreType.DMA,
    ],
)
def _sc_gather_call(table_hbm, idx_hbm, out_hbm, idx_v, rows_v, sem):
    wid = lax.axis_index("s") * 2 + lax.axis_index("c")
    pltpu.sync_copy(idx_hbm.at[pl.ds(wid * _BPW, _BPW)], idx_v)
    copies = [
        pltpu.async_copy(table_hbm.at[idx_v.at[pl.ds(k * _CG, _CG)]],
                         rows_v.at[pl.ds(k * _CG, _CG)], sem)
        for k in range(_CHUNKS)
    ]
    for cp in copies:
        cp.wait()
    pltpu.sync_copy(rows_v, out_hbm.at[pl.ds(wid * _BPW, _BPW)])


def kernel(inputs, embedding_weight):
    e2 = jnp.sum(embedding_weight ** 2, axis=1)[:, None]
    jcol = jnp.arange(_NE, dtype=jnp.float32)[:, None]
    idx, loss, perp = _vq_call(inputs, embedding_weight, e2, jcol)
    rows = _sc_gather_call(embedding_weight, idx.reshape(_N))
    out = jnp.transpose(rows.reshape(_B, _L, _D), (0, 2, 1))
    return (out, loss[0, 0], perp[0, 0], embedding_weight,
            idx.reshape(_N, 1))

# --- scband reference (transcript-rebuilt; emitter-appended) ---
"""Pipeline reference for scband-vector-quantizer-56513179681061 (READ-ONLY COPY).

The authoritative reference and input builder live on the scoring server;
editing this copy changes nothing except your own understanding.
"""

import jax, jax.numpy as jnp
import numpy as np

NUM_EMBEDDINGS = 1024
EMBEDDING_DIM = 64
COMMITMENT_COST = 0.1

def setup_inputs(seed: int = 0) -> dict:
    key = jax.random.key(seed)
    k1, k2 = jax.random.split(key)
    inputs = jax.random.normal(k1, (32, EMBEDDING_DIM, 576), dtype=jnp.float32)
    embedding_weight = jax.random.normal(k2, (NUM_EMBEDDINGS, EMBEDDING_DIM), dtype=jnp.float32)
    return {"inputs": inputs, "embedding_weight": embedding_weight}

def reference(inputs, embedding_weight):
    # permute to [B, L, C]
    x = jnp.transpose(inputs, (0, 2, 1))
    input_shape = x.shape
    B = input_shape[0]
    flat_input = x.reshape(-1, EMBEDDING_DIM)
    # squared L2 distances to codebook
    distances = (jnp.sum(flat_input ** 2, axis=1, keepdims=True)
                 + jnp.sum(embedding_weight ** 2, axis=1)
                 - 2.0 * jnp.matmul(flat_input, embedding_weight.T))
    encoding_indices = jnp.argmin(distances, axis=1)[:, None]
    encodings = jax.nn.one_hot(encoding_indices[:, 0], NUM_EMBEDDINGS, dtype=jnp.float32)
    quantized = jnp.matmul(encodings, embedding_weight).reshape(input_shape)
    # eval path: no EMA updates (module buffers untouched)
    # KLDivLoss(batchmean) with (non-log) softmax input, as in the original code
    sm_q = jax.nn.softmax(jax.lax.stop_gradient(quantized), axis=2)
    sm_x = jax.nn.softmax(x, axis=2)
    e_latent_loss = jnp.sum(sm_x * (jnp.log(sm_x) - sm_q)) / B
    loss = COMMITMENT_COST * e_latent_loss
    # straight-through estimator
    quantized_st = x + jax.lax.stop_gradient(quantized - x)
    avg_probs = jnp.mean(encodings, axis=0)
    perplexity = jnp.exp(-jnp.sum(avg_probs * jnp.log(avg_probs + 1e-10)))
    out = jnp.transpose(quantized_st, (0, 2, 1))
    return (out, loss, perplexity, embedding_weight, encoding_indices)

if __name__ == "__main__":
    import jax
    _d = setup_inputs()
    print(jax.jit(kernel)(*tuple(_d.values())))

</pallas_src>

<mosaic_0001>
#map = affine_map<(d0, d1) -> (0, 0)>
#map1 = affine_map<(d0, d1) -> (0)>
module attributes {stable_mosaic.version = 14 : i64} {
  func.func @_sc_gather_call(%arg0: i32, %arg1: i32, %arg2: memref<1024x64xf32, #tpu.memory_space<hbm>>, %arg3: memref<18432xi32, #tpu.memory_space<hbm>>, %arg4: memref<18432x64xf32, #tpu.memory_space<hbm>>, %arg5: memref<576xi32, #tpu.memory_space<vmem>>, %arg6: memref<576x64xf32, #tpu.memory_space<vmem>>, %arg7: memref<!tpu.dma_semaphore, #tpu.memory_space<semaphore_mem>>) attributes {dimension_semantics = [#tpu.dimension_semantics<core_parallel>, #tpu.dimension_semantics<subcore_parallel>], iteration_bounds = array<i64: 2, 16>, scalar_prefetch = 0 : i64, scratch_operands = 3 : i64, tpu.core_type = #tpu.core_type<sc_vector_subcore>, window_params = [{transform_indices = #map}, {transform_indices = #map1}, {transform_indices = #map}]} {
    %mul3A = arith.constant 2 : i32
    %mul3A_0 = arith.muli %arg1, %mul3A : i32
    %add3A = arith.addi %mul3A_0, %arg0 : i32
    %mul3A_1 = arith.constant 576 : i32
    %mul3A_2 = arith.muli %add3A, %mul3A_1 : i32
    "tpu.region"() ({
      %run_scoped3A = tpu.sem_alloc : memref<!tpu.dma_semaphore, #tpu.memory_space<semaphore_mem>>
      %dma_start3A_99 = tpu.memref_slice %arg3[%mul3A_2] : memref<18432xi32, #tpu.memory_space<hbm>> -> memref<576xi32, #tpu.memory_space<hbm>>
      %dma_start3A_100 = tpu.memref_slice %arg3[%mul3A_2] : memref<18432xi32, #tpu.memory_space<hbm>> -> memref<576xi32, #tpu.memory_space<hbm>>
      tpu.enqueue_dma source(%dma_start3A_100 : memref<576xi32, #tpu.memory_space<hbm>>) target(%arg5 : memref<576xi32, #tpu.memory_space<vmem>>) target_semaphore(%run_scoped3A : memref<!tpu.dma_semaphore, #tpu.memory_space<semaphore_mem>>)
      %dma_wait3A_101 = tpu.memref_slice %arg3[%mul3A_2] : memref<18432xi32, #tpu.memory_space<hbm>> -> memref<576xi32, #tpu.memory_space<hbm>>
      %dma_wait3A_102 = tpu.memref_slice %arg3[%mul3A_2] : memref<18432xi32, #tpu.memory_space<hbm>> -> memref<576xi32, #tpu.memory_space<hbm>>
      tpu.wait_dma2 semaphore(%run_scoped3A : memref<!tpu.dma_semaphore, #tpu.memory_space<semaphore_mem>>) src(%dma_wait3A_102 : memref<576xi32, #tpu.memory_space<hbm>>) dst(%arg5 : memref<576xi32, #tpu.memory_space<vmem>>)
      tpu.yield
    }) : () -> ()
    %dma_start3A = arith.constant 0 : i32
    %dma_start3A_3 = arith.constant 0 : i32
    %dma_start3A_4 = tpu.memref_slice %arg6[%dma_start3A, %dma_start3A_3] : memref<576x64xf32, #tpu.memory_space<vmem>> -> memref<96x64xf32, #tpu.memory_space<vmem>>
    %dma_start3A_5 = arith.constant 0 : i32
    %dma_start3A_6 = tpu.memref_slice %arg5[%dma_start3A_5] : memref<576xi32, #tpu.memory_space<vmem>> -> memref<96xi32, #tpu.memory_space<vmem>>
    %dma_start3A_7 = arith.constant 0 : i32
    %dma_start3A_8 = arith.constant 0 : i32
    %dma_start3A_9 = tpu.memref_slice %arg2[%dma_start3A_7, %dma_start3A_8] : memref<1024x64xf32, #tpu.memory_space<hbm>> -> memref<1024x64xf32, #tpu.memory_space<hbm>>
    tpu.enqueue_indirect_dma source(%dma_start3A_9 : memref<1024x64xf32, #tpu.memory_space<hbm>>) target(%dma_start3A_4 : memref<96x64xf32, #tpu.memory_space<vmem>>) offsets(%dma_start3A_6 : memref<96xi32, #tpu.memory_space<vmem>>) semaphore(%arg7 : memref<!tpu.dma_semaphore, #tpu.memory_space<semaphore_mem>>)
    %dma_start3A_10 = arith.constant 96 : i32
    %dma_start3A_11 = arith.constant 0 : i32
    %dma_start3A_12 = tpu.memref_slice %arg6[%dma_start3A_10, %dma_start3A_11] : memref<576x64xf32, #tpu.memory_space<vmem>> -> memref<96x64xf32, #tpu.memory_space<vmem>>
    %dma_start3A_13 = arith.constant 96 : i32
    %dma_start3A_14 = tpu.memref_slice %arg5[%dma_start3A_13] : memref<576xi32, #tpu.memory_space<vmem>> -> memref<96xi32, #tpu.memory_space<vmem>>
    %dma_start3A_15 = arith.constant 0 : i32
    %dma_start3A_16 = arith.constant 0 : i32
    %dma_start3A_17 = tpu.memref_slice %arg2[%dma_start3A_15, %dma_start3A_16] : memref<1024x64xf32, #tpu.memory_space<hbm>> -> memref<1024x64xf32, #tpu.memory_space<hbm>>
    tpu.enqueue_indirect_dma source(%dma_start3A_17 : memref<1024x64xf32, #tpu.memory_space<hbm>>) target(%dma_start3A_12 : memref<96x64xf32, #tpu.memory_space<vmem>>) offsets(%dma_start3A_14 : memref<96xi32, #tpu.memory_space<vmem>>) semaphore(%arg7 : memref<!tpu.dma_semaphore, #tpu.memory_space<semaphore_mem>>)
    %dma_start3A_18 = arith.constant 192 : i32
    %dma_start3A_19 = arith.constant 0 : i32
    %dma_start3A_20 = tpu.memref_slice %arg6[%dma_start3A_18, %dma_start3A_19] : memref<576x64xf32, #tpu.memory_space<vmem>> -> memref<96x64xf32, #tpu.memory_space<vmem>>
    %dma_start3A_21 = arith.constant 192 : i32
    %dma_start3A_22 = tpu.memref_slice %arg5[%dma_start3A_21] : memref<576xi32, #tpu.memory_space<vmem>> -> memref<96xi32, #tpu.memory_space<vmem>>
    %dma_start3A_23 = arith.constant 0 : i32
    %dma_start3A_24 = arith.constant 0 : i32
    %dma_start3A_25 = tpu.memref_slice %arg2[%dma_start3A_23, %dma_start3A_24] : memref<1024x64xf32, #tpu.memory_space<hbm>> -> memref<1024x64xf32, #tpu.memory_space<hbm>>
    tpu.enqueue_indirect_dma source(%dma_start3A_25 : memref<1024x64xf32, #tpu.memory_space<hbm>>) target(%dma_start3A_20 : memref<96x64xf32, #tpu.memory_space<vmem>>) offsets(%dma_start3A_22 : memref<96xi32, #tpu.memory_space<vmem>>) semaphore(%arg7 : memref<!tpu.dma_semaphore, #tpu.memory_space<semaphore_mem>>)
    %dma_start3A_26 = arith.constant 288 : i32
    %dma_start3A_27 = arith.constant 0 : i32
    %dma_start3A_28 = tpu.memref_slice %arg6[%dma_start3A_26, %dma_start3A_27] : memref<576x64xf32, #tpu.memory_space<vmem>> -> memref<96x64xf32, #tpu.memory_space<vmem>>
    %dma_start3A_29 = arith.constant 288 : i32
    %dma_start3A_30 = tpu.memref_slice %arg5[%dma_start3A_29] : memref<576xi32, #tpu.memory_space<vmem>> -> memref<96xi32, #tpu.memory_space<vmem>>
    %dma_start3A_31 = arith.constant 0 : i32
    %dma_start3A_32 = arith.constant 0 : i32
    %dma_start3A_33 = tpu.memref_slice %arg2[%dma_start3A_31, %dma_start3A_32] : memref<1024x64xf32, #tpu.memory_space<hbm>> -> memref<1024x64xf32, #tpu.memory_space<hbm>>
    tpu.enqueue_indirect_dma source(%dma_start3A_33 : memref<1024x64xf32, #tpu.memory_space<hbm>>) target(%dma_start3A_28 : memref<96x64xf32, #tpu.memory_space<vmem>>) offsets(%dma_start3A_30 : memref<96xi32, #tpu.memory_space<vmem>>) semaphore(%arg7 : memref<!tpu.dma_semaphore, #tpu.memory_space<semaphore_mem>>)
    %dma_start3A_34 = arith.constant 384 : i32
    %dma_start3A_35 = arith.constant 0 : i32
    %dma_start3A_36 = tpu.memref_slice %arg6[%dma_start3A_34, %dma_start3A_35] : memref<576x64xf32, #tpu.memory_space<vmem>> -> memref<96x64xf32, #tpu.memory_space<vmem>>
    %dma_start3A_37 = arith.constant 384 : i32
    %dma_start3A_38 = tpu.memref_slice %arg5[%dma_start3A_37] : memref<576xi32, #tpu.memory_space<vmem>> -> memref<96xi32, #tpu.memory_space<vmem>>
    %dma_start3A_39 = arith.constant 0 : i32
    %dma_start3A_40 = arith.constant 0 : i32
    %dma_start3A_41 = tpu.memref_slice %arg2[%dma_start3A_39, %dma_start3A_40] : memref<1024x64xf32, #tpu.memory_space<hbm>> -> memref<1024x64xf32, #tpu.memory_space<hbm>>
    tpu.enqueue_indirect_dma source(%dma_start3A_41 : memref<1024x64xf32, #tpu.memory_space<hbm>>) target(%dma_start3A_36 : memref<96x64xf32, #tpu.memory_space<vmem>>) offsets(%dma_start3A_38 : memref<96xi32, #tpu.memory_space<vmem>>) semaphore(%arg7 : memref<!tpu.dma_semaphore, #tpu.memory_space<semaphore_mem>>)
    %dma_start3A_42 = arith.constant 480 : i32
    %dma_start3A_43 = arith.constant 0 : i32
    %dma_start3A_44 = tpu.memref_slice %arg6[%dma_start3A_42, %dma_start3A_43] : memref<576x64xf32, #tpu.memory_space<vmem>> -> memref<96x64xf32, #tpu.memory_space<vmem>>
    %dma_start3A_45 = arith.constant 480 : i32
    %dma_start3A_46 = tpu.memref_slice %arg5[%dma_start3A_45] : memref<576xi32, #tpu.memory_space<vmem>> -> memref<96xi32, #tpu.memory_space<vmem>>
    %dma_start3A_47 = arith.constant 0 : i32
    %dma_start3A_48 = arith.constant 0 : i32
    %dma_start3A_49 = tpu.memref_slice %arg2[%dma_start3A_47, %dma_start3A_48] : memref<1024x64xf32, #tpu.memory_space<hbm>> -> memref<1024x64xf32, #tpu.memory_space<hbm>>
    tpu.enqueue_indirect_dma source(%dma_start3A_49 : memref<1024x64xf32, #tpu.memory_space<hbm>>) target(%dma_start3A_44 : memref<96x64xf32, #tpu.memory_space<vmem>>) offsets(%dma_start3A_46 : memref<96xi32, #tpu.memory_space<vmem>>) semaphore(%arg7 : memref<!tpu.dma_semaphore, #tpu.memory_space<semaphore_mem>>)
    %dma_wait3A = arith.constant 0 : i32
    %dma_wait3A_50 = arith.constant 0 : i32
    %dma_wait3A_51 = tpu.memref_slice %arg6[%dma_wait3A, %dma_wait3A_50] : memref<576x64xf32, #tpu.memory_space<vmem>> -> memref<96x64xf32, #tpu.memory_space<vmem>>
    %dma_wait3A_52 = arith.constant 0 : i32
    %dma_wait3A_53 = tpu.memref_slice %arg5[%dma_wait3A_52] : memref<576xi32, #tpu.memory_space<vmem>> -> memref<96xi32, #tpu.memory_space<vmem>>
    %dma_wait3A_54 = arith.constant 0 : i32
    %dma_wait3A_55 = arith.constant 0 : i32
    %dma_wait3A_56 = tpu.memref_slice %arg2[%dma_wait3A_54, %dma_wait3A_55] : memref<1024x64xf32, #tpu.memory_space<hbm>> -> memref<1024x64xf32, #tpu.memory_space<hbm>>
    tpu.wait_indirect_dma semaphore(%arg7 : memref<!tpu.dma_semaphore, #tpu.memory_space<semaphore_mem>>) src(%dma_wait3A_56 : memref<1024x64xf32, #tpu.memory_space<hbm>>) dst(%dma_wait3A_51 : memref<96x64xf32, #tpu.memory_space<vmem>>)
    %dma_wait3A_57 = arith.constant 96 : i32
    %dma_wait3A_58 = arith.constant 0 : i32
    %dma_wait3A_59 = tpu.memref_slice %arg6[%dma_wait3A_57, %dma_wait3A_58] : memref<576x64xf32, #tpu.memory_space<vmem>> -> memref<96x64xf32, #tpu.memory_space<vmem>>
    %dma_wait3A_60 = arith.constant 96 : i32
    %dma_wait3A_61 = tpu.memref_slice %arg5[%dma_wait3A_60] : memref<576xi32, #tpu.memory_space<vmem>> -> memref<96xi32, #tpu.memory_space<vmem>>
    %dma_wait3A_62 = arith.constant 0 : i32
    %dma_wait3A_63 = arith.constant 0 : i32
    %dma_wait3A_64 = tpu.memref_slice %arg2[%dma_wait3A_62, %dma_wait3A_63] : memref<1024x64xf32, #tpu.memory_space<hbm>> -> memref<1024x64xf32, #tpu.memory_space<hbm>>
    tpu.wait_indirect_dma semaphore(%arg7 : memref<!tpu.dma_semaphore, #tpu.memory_space<semaphore_mem>>) src(%dma_wait3A_64 : memref<1024x64xf32, #tpu.memory_space<hbm>>) dst(%dma_wait3A_59 : memref<96x64xf32, #tpu.memory_space<vmem>>)
    %dma_wait3A_65 = arith.constant 192 : i32
    %dma_wait3A_66 = arith.constant 0 : i32
    %dma_wait3A_67 = tpu.memref_slice %arg6[%dma_wait3A_65, %dma_wait3A_66] : memref<576x64xf32, #tpu.memory_space<vmem>> -> memref<96x64xf32, #tpu.memory_space<vmem>>
    %dma_wait3A_68 = arith.constant 192 : i32
    %dma_wait3A_69 = tpu.memref_slice %arg5[%dma_wait3A_68] : memref<576xi32, #tpu.memory_space<vmem>> -> memref<96xi32, #tpu.memory_space<vmem>>
    %dma_wait3A_70 = arith.constant 0 : i32
    %dma_wait3A_71 = arith.constant 0 : i32
    %dma_wait3A_72 = tpu.memref_slice %arg2[%dma_wait3A_70, %dma_wait3A_71] : memref<1024x64xf32, #tpu.memory_space<hbm>> -> memref<1024x64xf32, #tpu.memory_space<hbm>>
    tpu.wait_indirect_dma semaphore(%arg7 : memref<!tpu.dma_semaphore, #tpu.memory_space<semaphore_mem>>) src(%dma_wait3A_72 : memref<1024x64xf32, #tpu.memory_space<hbm>>) dst(%dma_wait3A_67 : memref<96x64xf32, #tpu.memory_space<vmem>>)
    %dma_wait3A_73 = arith.constant 288 : i32
    %dma_wait3A_74 = arith.constant 0 : i32
    %dma_wait3A_75 = tpu.memref_slice %arg6[%dma_wait3A_73, %dma_wait3A_74] : memref<576x64xf32, #tpu.memory_space<vmem>> -> memref<96x64xf32, #tpu.memory_space<vmem>>
    %dma_wait3A_76 = arith.constant 288 : i32
    %dma_wait3A_77 = tpu.memref_slice %arg5[%dma_wait3A_76] : memref<576xi32, #tpu.memory_space<vmem>> -> memref<96xi32, #tpu.memory_space<vmem>>
    %dma_wait3A_78 = arith.constant 0 : i32
    %dma_wait3A_79 = arith.constant 0 : i32
    %dma_wait3A_80 = tpu.memref_slice %arg2[%dma_wait3A_78, %dma_wait3A_79] : memref<1024x64xf32, #tpu.memory_space<hbm>> -> memref<1024x64xf32, #tpu.memory_space<hbm>>
    tpu.wait_indirect_dma semaphore(%arg7 : memref<!tpu.dma_semaphore, #tpu.memory_space<semaphore_mem>>) src(%dma_wait3A_80 : memref<1024x64xf32, #tpu.memory_space<hbm>>) dst(%dma_wait3A_75 : memref<96x64xf32, #tpu.memory_space<vmem>>)
    %dma_wait3A_81 = arith.constant 384 : i32
    %dma_wait3A_82 = arith.constant 0 : i32
    %dma_wait3A_83 = tpu.memref_slice %arg6[%dma_wait3A_81, %dma_wait3A_82] : memref<576x64xf32, #tpu.memory_space<vmem>> -> memref<96x64xf32, #tpu.memory_space<vmem>>
    %dma_wait3A_84 = arith.constant 384 : i32
    %dma_wait3A_85 = tpu.memref_slice %arg5[%dma_wait3A_84] : memref<576xi32, #tpu.memory_space<vmem>> -> memref<96xi32, #tpu.memory_space<vmem>>
    %dma_wait3A_86 = arith.constant 0 : i32
    %dma_wait3A_87 = arith.constant 0 : i32
    %dma_wait3A_88 = tpu.memref_slice %arg2[%dma_wait3A_86, %dma_wait3A_87] : memref<1024x64xf32, #tpu.memory_space<hbm>> -> memref<1024x64xf32, #tpu.memory_space<hbm>>
    tpu.wait_indirect_dma semaphore(%arg7 : memref<!tpu.dma_semaphore, #tpu.memory_space<semaphore_mem>>) src(%dma_wait3A_88 : memref<1024x64xf32, #tpu.memory_space<hbm>>) dst(%dma_wait3A_83 : memref<96x64xf32, #tpu.memory_space<vmem>>)
    %dma_wait3A_89 = arith.constant 480 : i32
    %dma_wait3A_90 = arith.constant 0 : i32
    %dma_wait3A_91 = tpu.memref_slice %arg6[%dma_wait3A_89, %dma_wait3A_90] : memref<576x64xf32, #tpu.memory_space<vmem>> -> memref<96x64xf32, #tpu.memory_space<vmem>>
    %dma_wait3A_92 = arith.constant 480 : i32
    %dma_wait3A_93 = tpu.memref_slice %arg5[%dma_wait3A_92] : memref<576xi32, #tpu.memory_space<vmem>> -> memref<96xi32, #tpu.memory_space<vmem>>
    %dma_wait3A_94 = arith.constant 0 : i32
    %dma_wait3A_95 = arith.constant 0 : i32
    %dma_wait3A_96 = tpu.memref_slice %arg2[%dma_wait3A_94, %dma_wait3A_95] : memref<1024x64xf32, #tpu.memory_space<hbm>> -> memref<1024x64xf32, #tpu.memory_space<hbm>>
    tpu.wait_indirect_dma semaphore(%arg7 : memref<!tpu.dma_semaphore, #tpu.memory_space<semaphore_mem>>) src(%dma_wait3A_96 : memref<1024x64xf32, #tpu.memory_space<hbm>>) dst(%dma_wait3A_91 : memref<96x64xf32, #tpu.memory_space<vmem>>)
    %mul3A_97 = arith.constant 576 : i32
    %mul3A_98 = arith.muli %add3A, %mul3A_97 : i32
    "tpu.region"() ({
      %run_scoped3A = tpu.sem_alloc : memref<!tpu.dma_semaphore, #tpu.memory_space<semaphore_mem>>
      %dma_start3A_99 = arith.constant 0 : i32
      %dma_start3A_100 = tpu.memref_slice %arg4[%mul3A_98, %dma_start3A_99] : memref<18432x64xf32, #tpu.memory_space<hbm>> -> memref<576x64xf32, #tpu.memory_space<hbm>>
      %dma_start3A_101 = arith.constant 0 : i32
      %dma_start3A_102 = tpu.memref_slice %arg4[%mul3A_98, %dma_start3A_101] : memref<18432x64xf32, #tpu.memory_space<hbm>> -> memref<576x64xf32, #tpu.memory_space<hbm>>
      tpu.enqueue_dma source(%arg6 : memref<576x64xf32, #tpu.memory_space<vmem>>) target(%dma_start3A_102 : memref<576x64xf32, #tpu.memory_space<hbm>>) target_semaphore(%run_scoped3A : memref<!tpu.dma_semaphore, #tpu.memory_space<semaphore_mem>>)
      %dma_wait3A_103 = arith.constant 0 : i32
      %dma_wait3A_104 = tpu.memref_slice %arg4[%mul3A_98, %dma_wait3A_103] : memref<18432x64xf32, #tpu.memory_space<hbm>> -> memref<576x64xf32, #tpu.memory_space<hbm>>
      %dma_wait3A_105 = arith.constant 0 : i32
      %dma_wait3A_106 = tpu.memref_slice %arg4[%mul3A_98, %dma_wait3A_105] : memref<18432x64xf32, #tpu.memory_space<hbm>> -> memref<576x64xf32, #tpu.memory_space<hbm>>
      tpu.wait_dma2 semaphore(%run_scoped3A : memref<!tpu.dma_semaphore, #tpu.memory_space<semaphore_mem>>) src(%arg6 : memref<576x64xf32, #tpu.memory_space<vmem>>) dst(%dma_wait3A_106 : memref<576x64xf32, #tpu.memory_space<hbm>>)
      tpu.yield
    }) : () -> ()
    return
  }
}

module attributes {stable_mosaic.version = 14 : i64} {
  func.func @_vq_body(%arg0: i32, %arg1: memref<1x64x576xf32, #tpu.memory_space<vmem>>, %arg2: memref<1024x64xf32, #tpu.memory_space<vmem>>, %arg3: memref<1024x1xf32, #tpu.memory_space<vmem>>, %arg4: memref<1024x1xf32, #tpu.memory_space<vmem>>, %arg5: memref<1x1x576xi32, #tpu.memory_space<vmem>>, %arg6: memref<1x1xf32, #tpu.memory_space<vmem>>, %arg7: memref<1x1xf32, #tpu.memory_space<vmem>>, %arg8: memref<1024x1xf32, #tpu.memory_space<vmem>>, %arg9: memref<1x1xf32, #tpu.memory_space<vmem>>) attributes {dimension_semantics = [#tpu.dimension_semantics<arbitrary>], iteration_bounds = array<i64: 32>, scalar_prefetch = 0 : i64, scratch_operands = 2 : i64, tpu.core_type = #tpu.core_type<tc>, window_params = [{transform_indices = @transform_0, window_bounds = array<i64: 1, 64, 576>}, {pipeline_mode = #tpu.pipeline_mode<synchronous>, transform_indices = @transform_1, window_bounds = array<i64: 1024, 64>}, {pipeline_mode = #tpu.pipeline_mode<synchronous>, transform_indices = @transform_2, window_bounds = array<i64: 1024, 1>}, {pipeline_mode = #tpu.pipeline_mode<synchronous>, transform_indices = @transform_3, window_bounds = array<i64: 1024, 1>}, {transform_indices = @transform_4, window_bounds = array<i64: 1, 1, 576>}, {pipeline_mode = #tpu.pipeline_mode<synchronous>, transform_indices = @transform_5, window_bounds = array<i64: 1, 1>}, {pipeline_mode = #tpu.pipeline_mode<synchronous>, transform_indices = @transform_6, window_bounds = array<i64: 1, 1>}]} {
    %eq3A = arith.constant 0 : i32
    %eq3A_0 = arith.cmpi eq, %arg0, %eq3A : i32
    %convert_element_type3A = arith.extui %eq3A_0 : i1 to i32
    %cond3A = arith.constant 0 : i32
    %cond3A_1 = arith.cmpi ne, %convert_element_type3A, %cond3A : i32
    scf.if %cond3A_1 {
      %broadcast_in_dim3A_98 = arith.constant 0.000000e+00 : f32
      %broadcast_in_dim3A_99 = vector.broadcast %broadcast_in_dim3A_98 : f32 to vector<1024x1xf32>
      %swap3A_100 = arith.constant 0 : index
      %swap3A_101 = arith.constant 0 : index
      %swap3A_102 = vector.load %arg8[%swap3A_100, %swap3A_101] : memref<1024x1xf32, #tpu.memory_space<vmem>>, vector<1024x1xf32>
      tpu.vector_store %arg8[%swap3A_100, %swap3A_101], %broadcast_in_dim3A_99 {strides = array<i32>} : memref<1024x1xf32, #tpu.memory_space<vmem>>, vector<1024x1xf32>,
      %broadcast_in_dim3A_103 = arith.constant 0.000000e+00 : f32
      %broadcast_in_dim3A_104 = vector.broadcast %broadcast_in_dim3A_103 : f32 to vector<1x1xf32>
      %swap3A_105 = arith.constant 0 : index
      %swap3A_106 = arith.constant 0 : index
      %swap3A_107 = vector.load %arg9[%swap3A_105, %swap3A_106] : memref<1x1xf32, #tpu.memory_space<vmem>>, vector<1x1xf32>
      tpu.vector_store %arg9[%swap3A_105, %swap3A_106], %broadcast_in_dim3A_104 {strides = array<i32>} : memref<1x1xf32, #tpu.memory_space<vmem>>, vector<1x1xf32>,
    } else {
    }
    %get3A = arith.constant 0 : index
    %get3A_2 = arith.constant 0 : index
    %get3A_3 = arith.constant 0 : index
    %get3A_4 = vector.load %arg1[%get3A, %get3A_2, %get3A_3] : memref<1x64x576xf32, #tpu.memory_space<vmem>>, vector<1x64x576xf32>
    %get3A_5 = vector.shape_cast %get3A_4 : vector<1x64x576xf32> to vector<64x576xf32>
    %get3A_6 = arith.constant 0 : index
    %get3A_7 = arith.constant 0 : index
    %get3A_8 = vector.load %arg2[%get3A_6, %get3A_7] : memref<1024x64xf32, #tpu.memory_space<vmem>>, vector<1024x64xf32>
    %get3A_9 = arith.constant 0 : index
    %get3A_10 = arith.constant 0 : index
    %get3A_11 = vector.load %arg3[%get3A_9, %get3A_10] : memref<1024x1xf32, #tpu.memory_space<vmem>>, vector<1024x1xf32>
    %mul3A = arith.mulf %get3A_5, %get3A_5 : vector<64x576xf32>
    %reduce_sum3A = arith.constant dense<0.000000e+00> : vector<576xf32>
    %reduce_sum3A_12 = vector.multi_reduction <add>, %mul3A, %reduce_sum3A [0] : vector<64x576xf32> to vector<576xf32>
    %mul3A_13 = arith.constant -2.000000e+00 : f32
    %mul3A_14 = vector.broadcast %mul3A_13 : f32 to vector<1024x64xf32>
    %mul3A_15 = arith.mulf %get3A_8, %mul3A_14 : vector<1024x64xf32>
    %dot_general3A = arith.constant dense<0.000000e+00> : vector<1024x576xf32>
    %dot_general3A_16 = tpu.matmul %mul3A_15, %get3A_5, %dot_general3A {dimension_numbers = #tpu.dot_dimension_numbers<[1], [0], [0], [1], [0, 0, 1, 1], [], []>, transpose_lhs_hint = false} : vector<1024x64xf32>, vector<64x576xf32>, vector<1024x576xf32> -> vector<1024x576xf32>
    %broadcast_in_dim3A = vector.shape_cast %reduce_sum3A_12 : vector<576xf32> to vector<1x576xf32>
    %add3A = vector.broadcast %broadcast_in_dim3A : vector<1x576xf32> to vector<1024x576xf32>
    %add3A_17 = vector.broadcast %get3A_11 : vector<1024x1xf32> to vector<1024x576xf32>
    %add3A_18 = arith.addf %add3A, %add3A_17 : vector<1024x576xf32>
    %add3A_19 = arith.addf %add3A_18, %dot_general3A_16 : vector<1024x576xf32>
    %get3A_20 = arith.constant 0 : index
    %get3A_21 = arith.constant 0 : index
    %get3A_22 = vector.load %arg4[%get3A_20, %get3A_21] : memref<1024x1xf32, #tpu.memory_space<vmem>>, vector<1024x1xf32>
    %reduce_min3A = arith.constant dense<0x7F800000> : vector<576xf32>
    %reduce_min3A_23 = vector.multi_reduction <minimumf>, %add3A_19, %reduce_min3A [0] : vector<1024x576xf32> to vector<576xf32>
    %broadcast_in_dim3A_24 = vector.shape_cast %reduce_min3A_23 : vector<576xf32> to vector<1x576xf32>
    %eq3A_25 = vector.broadcast %broadcast_in_dim3A_24 : vector<1x576xf32> to vector<1024x576xf32>
    %eq3A_26 = arith.cmpf oeq, %add3A_19, %eq3A_25 : vector<1024x576xf32>
    %jit3A = arith.constant 1.024000e+03 : f32
    %broadcast_in_dim3A_27 = vector.shape_cast %get3A_22 : vector<1024x1xf32> to vector<1024x1xf32>
    %broadcast_in_dim3A_28 = vector.broadcast %broadcast_in_dim3A_27 : vector<1024x1xf32> to vector<1024x576xf32>
    %broadcast_in_dim3A_29 = vector.broadcast %jit3A : f32 to vector<1024x576xf32>
    %select_n3A = arith.select %eq3A_26, %broadcast_in_dim3A_28, %broadcast_in_dim3A_29 : vector<1024x576xi1>, vector<1024x576xf32>
    %reduce_min3A_30 = arith.constant dense<0x7F800000> : vector<576xf32>
    %reduce_min3A_31 = vector.multi_reduction <minimumf>, %select_n3A, %reduce_min3A_30 [0] : vector<1024x576xf32> to vector<576xf32>
    %convert_element_type3A_32 = arith.fptosi %reduce_min3A_31 : vector<576xf32> to vector<576xi32>
    %broadcast_in_dim3A_33 = vector.shape_cast %reduce_min3A_31 : vector<576xf32> to vector<1x576xf32>
    %eq3A_34 = vector.broadcast %get3A_22 : vector<1024x1xf32> to vector<1024x576xf32>
    %eq3A_35 = vector.broadcast %broadcast_in_dim3A_33 : vector<1x576xf32> to vector<1024x576xf32>
    %eq3A_36 = arith.cmpf oeq, %eq3A_34, %eq3A_35 : vector<1024x576xf32>
    %convert_element_type3A_37 = arith.extui %eq3A_36 : vector<1024x576xi1> to vector<1024x576xi32>
    %convert_element_type3A_38 = arith.sitofp %convert_element_type3A_37 : vector<1024x576xi32> to vector<1024x576xf32>
    %dot_general3A_39 = arith.constant dense<0.000000e+00> : vector<64x576xf32>
    %dot_general3A_40 = tpu.matmul %get3A_8, %convert_element_type3A_38, %dot_general3A_39 {dimension_numbers = #tpu.dot_dimension_numbers<[0], [0], [1], [1], [0, 1, 1, 1], [], []>, transpose_lhs_hint = false} : vector<1024x64xf32>, vector<1024x576xf32>, vector<64x576xf32> -> vector<64x576xf32>
    %swap3A = arith.constant 0 : index
    %swap3A_41 = arith.constant 0 : index
    %swap3A_42 = arith.constant 0 : index
    %swap3A_43 = vector.load %arg5[%swap3A, %swap3A_41, %swap3A_42] : memref<1x1x576xi32, #tpu.memory_space<vmem>>, vector<1x1x576xi32>
    %swap3A_44 = vector.shape_cast %swap3A_43 : vector<1x1x576xi32> to vector<576xi32>
    %swap3A_45 = vector.shape_cast %convert_element_type3A_32 : vector<576xi32> to vector<1x1x576xi32>
    tpu.vector_store %arg5[%swap3A, %swap3A_41, %swap3A_42], %swap3A_45 {strides = array<i32>} : memref<1x1x576xi32, #tpu.memory_space<vmem>>, vector<1x1x576xi32>,
    %get3A_46 = arith.constant 0 : index
    %get3A_47 = arith.constant 0 : index
    %get3A_48 = vector.load %arg8[%get3A_46, %get3A_47] : memref<1024x1xf32, #tpu.memory_space<vmem>>, vector<1024x1xf32>
    %reduce_sum3A_49 = arith.constant dense<0.000000e+00> : vector<1024xf32>
    %reduce_sum3A_50 = vector.multi_reduction <add>, %convert_element_type3A_38, %reduce_sum3A_49 [1] : vector<1024x576xf32> to vector<1024xf32>
    %broadcast_in_dim3A_51 = vector.shape_cast %reduce_sum3A_50 : vector<1024xf32> to vector<1024x1xf32>
    %add3A_52 = arith.addf %get3A_48, %broadcast_in_dim3A_51 : vector<1024x1xf32>
    %swap3A_53 = arith.constant 0 : index
    %swap3A_54 = arith.constant 0 : index
    %swap3A_55 = vector.load %arg8[%swap3A_53, %swap3A_54] : memref<1024x1xf32, #tpu.memory_space<vmem>>, vector<1024x1xf32>
    tpu.vector_store %arg8[%swap3A_53, %swap3A_54], %add3A_52 {strides = array<i32>} : memref<1024x1xf32, #tpu.memory_space<vmem>>, vector<1024x1xf32>,
    %reduce_max3A = arith.constant dense<0xFF800000> : vector<576xf32>
    %reduce_max3A_56 = vector.multi_reduction <maximumf>, %get3A_5, %reduce_max3A [0] : vector<64x576xf32> to vector<576xf32>
    %max3A = arith.constant 0xFF800000 : f32
    %max3A_57 = vector.broadcast %max3A : f32 to vector<576xf32>
    %max3A_58 = arith.maximumf %max3A_57, %reduce_max3A_56 : vector<576xf32>
    %broadcast_in_dim3A_59 = vector.shape_cast %max3A_58 : vector<576xf32> to vector<1x576xf32>
    %sub3A = vector.broadcast %broadcast_in_dim3A_59 : vector<1x576xf32> to vector<64x576xf32>
    %sub3A_60 = arith.subf %get3A_5, %sub3A : vector<64x576xf32>
    %exp3A = math.exp %sub3A_60 : vector<64x576xf32>
    %reduce_sum3A_61 = arith.constant dense<0.000000e+00> : vector<576xf32>
    %reduce_sum3A_62 = vector.multi_reduction <add>, %exp3A, %reduce_sum3A_61 [0] : vector<64x576xf32> to vector<576xf32>
    %broadcast_in_dim3A_63 = vector.shape_cast %reduce_sum3A_62 : vector<576xf32> to vector<1x576xf32>
    %div3A = vector.broadcast %broadcast_in_dim3A_63 : vector<1x576xf32> to vector<64x576xf32>
    %div3A_64 = arith.divf %exp3A, %div3A : vector<64x576xf32>
    %reduce_max3A_65 = arith.constant dense<0xFF800000> : vector<576xf32>
    %reduce_max3A_66 = vector.multi_reduction <maximumf>, %dot_general3A_40, %reduce_max3A_65 [0] : vector<64x576xf32> to vector<576xf32>
    %max3A_67 = arith.constant 0xFF800000 : f32
    %max3A_68 = vector.broadcast %max3A_67 : f32 to vector<576xf32>
    %max3A_69 = arith.maximumf %max3A_68, %reduce_max3A_66 : vector<576xf32>
    %broadcast_in_dim3A_70 = vector.shape_cast %max3A_69 : vector<576xf32> to vector<1x576xf32>
    %sub3A_71 = vector.broadcast %broadcast_in_dim3A_70 : vector<1x576xf32> to vector<64x576xf32>
    %sub3A_72 = arith.subf %dot_general3A_40, %sub3A_71 : vector<64x576xf32>
    %exp3A_73 = math.exp %sub3A_72 : vector<64x576xf32>
    %reduce_sum3A_74 = arith.constant dense<0.000000e+00> : vector<576xf32>
    %reduce_sum3A_75 = vector.multi_reduction <add>, %exp3A_73, %reduce_sum3A_74 [0] : vector<64x576xf32> to vector<576xf32>
    %broadcast_in_dim3A_76 = vector.shape_cast %reduce_sum3A_75 : vector<576xf32> to vector<1x576xf32>
    %div3A_77 = vector.broadcast %broadcast_in_dim3A_76 : vector<1x576xf32> to vector<64x576xf32>
    %div3A_78 = arith.divf %exp3A_73, %div3A_77 : vector<64x576xf32>
    %get3A_79 = arith.constant 0 : index
    %get3A_80 = arith.constant 0 : index
    %get3A_81 = vector.load %arg9[%get3A_79, %get3A_80] : memref<1x1xf32, #tpu.memory_space<vmem>>, vector<1x1xf32>
    %log3A = math.log %div3A_64 : vector<64x576xf32>
    %sub3A_82 = arith.subf %log3A, %div3A_78 : vector<64x576xf32>
    %mul3A_83 = arith.mulf %div3A_64, %sub3A_82 : vector<64x576xf32>
    %reduce_sum3A_84 = vector.shape_cast %mul3A_83 : vector<64x576xf32> to vector<1x64x576xf32>
    %reduce_sum3A_85 = arith.constant dense<0.000000e+00> : vector<1xf32>
    %reduce_sum3A_86 = vector.multi_reduction <add>, %reduce_sum3A_84, %reduce_sum3A_85 [1, 2] : vector<1x64x576xf32> to vector<1xf32>
    %reduce_sum3A_87 = vector.shape_cast %reduce_sum3A_86 : vector<1xf32> to vector<1x1x1xf32>
    %reduce_sum3A_88 = vector.extract %reduce_sum3A_87[0, 0, 0] : f32 from vector<1x1x1xf32>
    %reshape3A = vector.broadcast %reduce_sum3A_88 : f32 to vector<1x1xf32>
    %add3A_89 = arith.addf %get3A_81, %reshape3A : vector<1x1xf32>
    %swap3A_90 = arith.constant 0 : index
    %swap3A_91 = arith.constant 0 : index
    %swap3A_92 = vector.load %arg9[%swap3A_90, %swap3A_91] : memref<1x1xf32, #tpu.memory_space<vmem>>, vector<1x1xf32>
    tpu.vector_store %arg9[%swap3A_90, %swap3A_91], %add3A_89 {strides = array<i32>} : memref<1x1xf32, #tpu.memory_space<vmem>>, vector<1x1xf32>,
    %eq3A_93 = arith.constant 31 : i32
    %eq3A_94 = arith.cmpi eq, %arg0, %eq3A_93 : i32
    %convert_element_type3A_95 = arith.extui %eq3A_94 : i1 to i32
    %cond3A_96 = arith.constant 0 : i32
    %cond3A_97 = arith.cmpi ne, %convert_element_type3A_95, %cond3A_96 : i32
    scf.if %cond3A_97 {
      %get3A_98 = arith.constant 0 : index
      %get3A_99 = arith.constant 0 : index
      %get3A_100 = vector.load %arg9[%get3A_98, %get3A_99] : memref<1x1xf32, #tpu.memory_space<vmem>>, vector<1x1xf32>
      %mul3A_101 = arith.constant 1.000000e-01 : f32
      %mul3A_102 = vector.broadcast %mul3A_101 : f32 to vector<1x1xf32>
      %mul3A_103 = arith.mulf %mul3A_102, %get3A_100 : vector<1x1xf32>
      %div3A_104 = arith.constant 3.200000e+01 : f32
      %div3A_105 = vector.broadcast %div3A_104 : f32 to vector<1x1xf32>
      %div3A_106 = arith.divf %mul3A_103, %div3A_105 : vector<1x1xf32>
      %swap3A_107 = arith.constant 0 : index
      %swap3A_108 = arith.constant 0 : index
      %swap3A_109 = vector.load %arg6[%swap3A_107, %swap3A_108] : memref<1x1xf32, #tpu.memory_space<vmem>>, vector<1x1xf32>
      tpu.vector_store %arg6[%swap3A_107, %swap3A_108], %div3A_106 {strides = array<i32>} : memref<1x1xf32, #tpu.memory_space<vmem>>, vector<1x1xf32>,
      %get3A_110 = arith.constant 0 : index
      %get3A_111 = arith.constant 0 : index
      %get3A_112 = vector.load %arg8[%get3A_110, %get3A_111] : memref<1024x1xf32, #tpu.memory_space<vmem>>, vector<1024x1xf32>
      %div3A_113 = arith.constant 1.843200e+04 : f32
      %div3A_114 = vector.broadcast %div3A_113 : f32 to vector<1024x1xf32>
      %div3A_115 = arith.divf %get3A_112, %div3A_114 : vector<1024x1xf32>
      %add3A_116 = arith.constant 1.000000e-10 : f32
      %add3A_117 = vector.broadcast %add3A_116 : f32 to vector<1024x1xf32>
      %add3A_118 = arith.addf %div3A_115, %add3A_117 : vector<1024x1xf32>
      %log3A_119 = math.log %add3A_118 : vector<1024x1xf32>
      %mul3A_120 = arith.mulf %div3A_115, %log3A_119 : vector<1024x1xf32>
      %reduce_sum3A_121 = vector.shape_cast %mul3A_120 : vector<1024x1xf32> to vector<1x1024x1xf32>
      %reduce_sum3A_122 = arith.constant dense<0.000000e+00> : vector<1xf32>
      %reduce_sum3A_123 = vector.multi_reduction <add>, %reduce_sum3A_121, %reduce_sum3A_122 [1, 2] : vector<1x1024x1xf32> to vector<1xf32>
      %reduce_sum3A_124 = vector.shape_cast %reduce_sum3A_123 : vector<1xf32> to vector<1x1x1xf32>
      %reduce_sum3A_125 = vector.extract %reduce_sum3A_124[0, 0, 0] : f32 from vector<1x1x1xf32>
      %neg3A = arith.constant 0.000000e+00 : f32
      %neg3A_126 = arith.subf %neg3A, %reduce_sum3A_125 : f32
      %exp3A_127 = math.exp %neg3A_126 : f32
      %reshape3A_128 = vector.broadcast %exp3A_127 : f32 to vector<1x1xf32>
      %swap3A_129 = arith.constant 0 : index
      %swap3A_130 = arith.constant 0 : index
      %swap3A_131 = vector.load %arg7[%swap3A_129, %swap3A_130] : memref<1x1xf32, #tpu.memory_space<vmem>>, vector<1x1xf32>
      tpu.vector_store %arg7[%swap3A_129, %swap3A_130], %reshape3A_128 {strides = array<i32>} : memref<1x1xf32, #tpu.memory_space<vmem>>, vector<1x1xf32>,
    } else {
    }
    return
  }
  func.func @transform_0(%arg0: i32) -> (i32, i32, i32) {
    %c0_i32 = arith.constant 0 : i32
    %c0_i32_0 = arith.constant 0 : i32
    %c0_i32_1 = arith.constant 0 : i32
    return %arg0, %c0_i32, %c0_i32_0 : i32, i32, i32
  }
  func.func @transform_1(%arg0: i32) -> (i32, i32) {
    %c0_i32 = arith.constant 0 : i32
    %c0_i32_0 = arith.constant 0 : i32
    %c0_i32_1 = arith.constant 0 : i32
    return %c0_i32, %c0_i32_0 : i32, i32
  }
  func.func @transform_2(%arg0: i32) -> (i32, i32) {
    %c0_i32 = arith.constant 0 : i32
    %c0_i32_0 = arith.constant 0 : i32
    %c0_i32_1 = arith.constant 0 : i32
    return %c0_i32, %c0_i32_0 : i32, i32
  }
  func.func @transform_3(%arg0: i32) -> (i32, i32) {
    %c0_i32 = arith.constant 0 : i32
    %c0_i32_0 = arith.constant 0 : i32
    %c0_i32_1 = arith.constant 0 : i32
    return %c0_i32, %c0_i32_0 : i32, i32
  }
  func.func @transform_4(%arg0: i32) -> (i32, i32, i32) {
    %c0_i32 = arith.constant 0 : i32
    %c0_i32_0 = arith.constant 0 : i32
    %c0_i32_1 = arith.constant 0 : i32
    return %arg0, %c0_i32, %c0_i32_0 : i32, i32, i32
  }
  func.func @transform_5(%arg0: i32) -> (i32, i32) {
    %c0_i32 = arith.constant 0 : i32
    %c0_i32_0 = arith.constant 0 : i32
    %c0_i32_1 = arith.constant 0 : i32
    return %c0_i32, %c0_i32_0 : i32, i32
  }
  func.func @transform_6(%arg0: i32) -> (i32, i32) {
    %c0_i32 = arith.constant 0 : i32
    %c0_i32_0 = arith.constant 0 : i32
    %c0_i32_1 = arith.constant 0 : i32
    return %c0_i32, %c0_i32_0 : i32, i32
  }
}

</mosaic_0001>

<sc_bundles>
// kernel: kernel.4.cloned.1.call-start
scs
__scs_entry_jumppad:
0x0: {  	(pc) =	sbr.rel $0x88, $3  }
0x1: {  	(tag) =	ssettag $0x0;
	lr =	simm.s32 $0x1  }
0x2: {  	[smem:$0x3F9F] =	sst lr;
	_ =	strace $0xD0000000  }
0x3: {  	_ = 	snop  }
0x4: {  	_ = 	snop  }
0x5: {  	_ = 	snop  }
0x6: {  	_ = 	snop  }
0x7: {  	_ = 	snop  }
__scs_overlays_trampoline_lowered:
0x8: {  	[smem:$0x3FAE] =	sst s0  }
0x9: {  	[smem:$0x3FAF] =	sst s1  }
0xa: {  	[smem:$0x3FB0] =	sst s2  }
0xb: {  	[smem:$0x3FB1] =	sst s3  }
0xc: {  	[smem:$0x3FB2] =	sst s4  }
0xd: {  	[smem:$0x3FB3] =	sst s5  }
0xe: {  	[smem:$0x3FB4] =	sst s6  }
0xf: {  	[smem:$0x3FB5] =	sst s7  }
0x10: {  	[smem:$0x3FB6] =	sst s8  }
0x11: {  	[smem:$0x3FB7] =	sst s9;
	s0 =	simm.s32 @!p0 $0x0  }
0x12: {  	s1 =	sld [smem:$0x3F9D];
	s0 =	simm.s32 @p0 $0x1  }
0x13: {  	[smem:$0x3FB8] =	sst s0;
	s0 =	simm.s32 @!p1 $0x0  }
0x14: {  	s2 =	sld [smem:$0x3F9C];
	s0 =	simm.s32 @p1 $0x1  }
0x15: {  	[smem:$0x3FB9] =	sst s0;
	s0 =	simm.s32 @!p2 $0x0  }
0x16: {  	s3 =	sld [smem:$0x3FDB];
	s0 =	simm.s32 @p2 $0x1  }
0x17: {  	s4 =	simm.s32 $0x1BF5;
	[smem:$0x3FBB] =	sst s0  }
0x18: {  	s0 =	sld [smem:$0x3F9E];
	_ =	swait.ge [sflag:s4], $0x0  }
0x19: {  	s7 =	sld [smem:$0x3F9F]  }
0x1a: {  	s8 =	sadd.s32 $0xFFFFE003, lr  }
0x1b: {  	s9 =	sadd.s32 $0xFFFFFEF7, lr;
	s5 =	simm.s32 $0xFFFFFFFF;
	p2 =	slt.u32 s8, $0xFFFFF086  }
0x1c: {  	p1 =	slt.u32 s9, $0xF7A;
	s5 =	simm.s32 @!p2 $0x0  }
0x1d: {  	s5 =	simm.s32 @p1 $0x1;
	p0 =	seq.s32 s7, s2  }
0x1e: {  	s7 =	smul.u32 @!p0 $0xF7A, s2;
	p2 =	seq.s32 @!p0 s5, $0x0  }
0x1f: {  	s9 =	smul.u32 $0xF7A, s1;
	s8 =	simm.s32 @!p0 $0x1BF5;
	p2 =	por !p2, p0  }
0x20: {  	[sflag:s8] =	ssyncset.s32 @!p0 $0xFFFFF086;
	s6 =	sadd.s32 @!p0 s3, s7;
	s7 =	simm.s32 @!p0 $0x108  }
0x21: {  	s3 =	sadd.s32 s3, s9;
	s6 =	sadd.s32 @!p0 $0x88, s6;
	s7 =	simm.s32 @p2 $0x1082  }
0x22: {  	[simem:s7], [sflag:s8] =	dma.local @!p0 [hbm:s6], $0xF7A  }
0x23: {  	s9 =	sor.u32 $0xD0000000, s2;
	s6 =	simm.s32 $0x108;
	_ =	swait.ge @!p0 [sflag:s8], $0x0  }
0x24: {  	s3 =	sadd.s32 $0x88, s3;
	s6 =	simm.s32 @!p1 $0x1082;
	[sflag:s4] =	ssyncset.s32 $0xFFFFF086  }
0x25: {  	[simem:s6], [sflag:s4] =	dma.local [hbm:s3], $0xF7A  }
0x26: {  	[smem:$0x3F9F] =	sst s1;
	(tag) =	ssettag s2;
	_ =	strace s9  }
0x27: {  	s1 =	sld [smem:$0x3FAF]  }
0x28: {  	s2 =	sld [smem:$0x3FB0]  }
0x29: {  	s4 =	sld [smem:$0x3FB2]  }
0x2a: {  	p0 =	seq.s32 s5, $0x0;
	s5 =	sld [smem:$0x3FB3]  }
0x2b: {  	s6 =	sld [smem:$0x3FB4]  }
0x2c: {  	s7 =	sld [smem:$0x3FB5]  }
0x2d: {  	s3 =	simm.s32 $0x108;
	s8 =	sld [smem:$0x3FB6]  }
0x2e: {  	s3 =	simm.s32 @!p0 $0x1082;
	s9 =	sld [smem:$0x3FB7]  }
0x2f: {  	lr =	sadd.s32 s0, s3;
	s0 =	sld [smem:$0x3FAE]  }
0x30: {  	s3 =	sld [smem:$0x3FB1]  }
0x31: {  	[smem:$0x3FBA] =	sst s10  }
0x32: {  	s10 =	sld [smem:$0x3FB8];
	_ =	sdelay $0x3  }
0x33: {  	p0 =	seq.s32 s10, $0x1;
	s10 =	sld [smem:$0x3FBA];
	_ =	sdelay $0x3  }
0x34: {  	[smem:$0x3FBA] =	sst s10  }
0x35: {  	s10 =	sld [smem:$0x3FB9];
	_ =	sdelay $0x3  }
0x36: {  	p1 =	seq.s32 s10, $0x1;
	s10 =	sld [smem:$0x3FBA];
	_ =	sdelay $0x3  }
0x37: {  	[smem:$0x3FBA] =	sst s10  }
0x38: {  	s10 =	sld [smem:$0x3FBB]  }
0x39: {  	_ = 	snop;
	(pc) =	sbr.ind lr, $3  }
0x3a: {  	_ = 	snop  }
0x3b: {  	_ = 	snop  }
0x3c: {  	p2 =	seq.s32 s10, $0x1;
	s10 =	sld [smem:$0x3FBA]  }
0x3d: {  	_ =	shalt  }
0x3e: {  	_ =	shalt  }
0x3f: {  	_ =	shalt  }
0x40: {  	_ =	shalt  }
0x41: {  	_ =	shalt  }
0x42: {  	_ =	shalt  }
0x43: {  	_ =	shalt  }
0x44: {  	_ =	shalt  }
0x45: {  	_ =	shalt  }
0x46: {  	_ =	shalt  }
0x47: {  	_ =	shalt  }
0x48: {  	_ =	shalt  }
0x49: {  	_ =	shalt  }
0x4a: {  	_ =	shalt  }
0x4b: {  	_ =	shalt  }
0x4c: {  	_ =	shalt  }
0x4d: {  	_ =	shalt  }
0x4e: {  	_ =	shalt  }
0x4f: {  	_ =	shalt  }
0x50: {  	_ =	shalt  }
0x51: {  	_ =	shalt  }
0x52: {  	_ =	shalt  }
0x53: {  	_ =	shalt  }
0x54: {  	_ =	shalt  }
0x55: {  	_ =	shalt  }
0x56: {  	_ =	shalt  }
0x57: {  	_ =	shalt  }
0x58: {  	_ =	shalt  }
0x59: {  	_ =	shalt  }
0x5a: {  	_ =	shalt  }
0x5b: {  	_ =	shalt  }
0x5c: {  	_ =	shalt  }
0x5d: {  	_ =	shalt  }
0x5e: {  	_ =	shalt  }
0x5f: {  	_ =	shalt  }
0x60: {  	_ =	shalt  }
0x61: {  	_ =	shalt  }
0x62: {  	_ =	shalt  }
0x63: {  	_ =	shalt  }
0x64: {  	_ =	shalt  }
0x65: {  	_ =	shalt  }
0x66: {  	_ =	shalt  }
0x67: {  	_ =	shalt  }
0x68: {  	_ =	shalt  }
0x69: {  	_ =	shalt  }
0x6a: {  	_ =	shalt  }
0x6b: {  	_ =	shalt  }
0x6c: {  	_ =	shalt  }
0x6d: {  	_ =	shalt  }
0x6e: {  	_ =	shalt  }
0x6f: {  	_ =	shalt  }
0x70: {  	_ =	shalt  }
0x71: {  	_ =	shalt  }
0x72: {  	_ =	shalt  }
0x73: {  	_ =	shalt  }
0x74: {  	_ =	shalt  }
0x75: {  	_ =	shalt  }
0x76: {  	_ =	shalt  }
0x77: {  	_ =	shalt  }
0x78: {  	_ =	shalt  }
0x79: {  	_ =	shalt  }
0x7a: {  	_ =	shalt  }
0x7b: {  	_ =	shalt  }
0x7c: {  	_ =	shalt  }
0x7d: {  	_ =	shalt  }
0x7e: {  	_ =	shalt  }
0x7f: {  	_ =	shalt  }
0x80: {  	_ =	shalt  }
0x81: {  	_ =	shalt  }
0x82: {  	_ =	shalt  }
0x83: {  	_ =	shalt  }
0x84: {  	_ =	shalt  }
0x85: {  	_ =	shalt  }
0x86: {  	_ =	shalt  }
0x87: {  	_ =	shalt  }
.Lfunc_end0:
.L_simem_size_0:
called_computation_lowered:
.L_overlay_start_0:
0x88: {  	s2 =	sld [smem:$0x3FD9]  }
0x89: {  	s3 =	sld [smem:$0x3FFE];
	_ =	sdelay $0x1  }
0x8a: {  	s1 =	srdreg.scid  }
0x8b: {  	s0 =	sand.u32 $0x1, s1  }
0x8c: {  	s14 =	sshll.u32 s0, $0xA;
	s2 =	sadd.s32 s3, s2  }
0x8d: {  	s2 =	sadd.s32 s2, s14  }
0x8e: {  	[smem:$0x3FC6] =	sst s2  }
0x8f: {  	_ = 	snop  }
0x90: {  	s2 =	sld [smem:$0x3FD0];
	_ =	sdelay $0x2  }
0x91: {  	s15 =	simm.s32 $0xA;
	s4 =	simm.s32 $0x10  }
0x92: {  	[smem:s4], [sflag:s15] =	dma.local [hbm:s2], $0x1  }
0x93: {  	_ =	swait.eq [sflag:s15], $0x1  }
0x94: {  	[sflag:s15] =	ssyncset.done $0x0  }
0x95: {  	s16 =	sld [smem:$0x10];
	[sflag:s15] =	ssyncadd.s32 $0xFFFFFFFF  }
0x96: {  	s17 =	sld [smem:$0x13];
	(tm) =	ssettm $0x1  }
0x97: {  	s18 =	sld [smem:$0x3FFB];
	_ =	sdelay $0x3  }
0x98: {  	_ =	strace s18  }
0x99: {  	s4 =	sld [smem:$0x3FFC];
	_ =	sdelay $0x3  }
0x9a: {  	_ =	strace s4  }
0x9b: {  	s4 =	sld [smem:$0x3FFD];
	_ =	sdelay $0x3  }
0x9c: {  	_ =	strace s4  }
0x9d: {  	_ =	strace $0x8FFFFFFF  }
0x9e: {  	s19 =	sld [smem:$0x3FDB];
	_ =	sdelay $0x1  }
0x9f: {  	s5 =	simm.s32 $_scs_section_size  }
0xa0: {  	s6 =	simm.s32 $_size__tile_overlayer_lowered;
	s7 =	simm.s32 $_tile_overlayer_lowered  }
0xa1: {  	s22 =	simm.s32 $0x1BFF;
	s21 =	sshll.u32 s7, $0x1;
	s4 =	sadd.s32 s5, s19  }
0xa2: {  	s8 =	simm.s32 $0x0;
	s20 =	sshll.u32 s6, $0x1;
	s6 =	sadd.s32 s21, s4  }
0xa3: {  	[timem:s8], [sflag:s22] =	dma.local [hbm:s6], s20  }
0xa4: {  	_ =	swait.ge [sflag:s22], s20  }
0xa5: {  	s5 =	ssub.s32 $0x0, s20;
	[sflag:s22] =	ssyncset.done $0x0  }
0xa6: {  	[sflag:s22] =	ssyncadd.s32 s5;
	_ =	sdelay $0x1  }
0xa7: {  	s23 =	simm.s32 $0x1B8B  }
0xa8: {  	_ =	swait.ge [sflag:s23], $0x1  }
0xa9: {  	[sflag:s23] =	ssyncset.done $0x0  }
0xaa: {  	s25 =	simm.s32 $0x1B8E;
	s24 =	sld [smem:$0x3FFE];
	[sflag:s23] =	ssyncadd.s32 $0xFFFFFFFF  }
0xab: {  	s26 =	simm.s32 $execute0_lowered;
	[smem:$0x3FD2] =	sst s25  }
0xac: {  	s6 =	sshll.u32 s26, $0x1;
	_ =	strace $0x80000046;
	[dreg:$0x1] =	wrdreg $0xFFFFFFFF  }
0xad: {  	s28 =	simm.s32 $_size_execute0_lowered;
	s4 =	sadd.s32 s4, s6;
	[dreg:$0x0] =	wrdreg $0x0  }
0xae: {  	s6 =	sshll.u32 s28, $0x1;
	[dreg:$0x2] =	wrdreg s4  }
0xaf: {  	[dreg:$0x3] =	wrdreg s6  }
0xb0: {  	[dreg:$0x4] =	wrdreg $0xC0  }
0xb1: {  	_ =	task [dreg:s8], $0x5FFFF  }
0xb2: {  	[dreg:$0x1] =	wrdreg $0xFFFFFFFF  }
0xb3: {  	[dreg:$0x0] =	wrdreg $0x60  }
0xb4: {  	[dreg:$0x2] =	wrdreg s17  }
0xb5: {  	[dreg:$0x3] =	wrdreg s24  }
0xb6: {  	[dreg:$0x4] =	wrdreg s16  }
0xb7: {  	[dreg:$0x5] =	wrdreg $0x9  }
0xb8: {  	_ =	task.clear_ibuf [dreg:s8], $0x6FFFF;
	_ =	strace $0x90000046  }
0xb9: {  	s29 =	simm.s32 $0x9;
	_ =	strace $0x80000048  }
0xba: {  	_ =	swait.ge [sflag:s29], $0x1  }
0xbb: {  	[sflag:s29] =	ssyncadd.s32 $0xFFFFFFFF  }
0xbc: {  	_ =	strace $0x90000048  }
0xbd: {  	_ =	sfence  }
0xbe: {  	s30 =	sld [smem:$0x0];
	_ =	sdelay $0x2  }
0xbf: {  	s31 =	sshll.u32 s1, $0xD;
	s1 =	sshrl.u32 s1, $0x2  }
0xc0: {  	s3 =	sand.u32 $0x4000, s31;
	s1 =	sadd.s32 s1, s30  }
0xc1: {  	s0 =	sor.u32 s3, s0;
	s1 =	sshll.u32 s1, $0x11  }
0xc2: {  	s0 =	sor.u32 s1, s0  }
0xc3: {  	s0 =	sadd.s32 $0x8F2B, s0  }
0xc4: {  	[sflag:s0] =	ssyncadd.remote.s32 $0x1  }
0xc5: {  	_ =	sfence.sel $0xFFFF  }
0xc6: {  	[dreg:$0x0] =	wrdreg $0xFFFFFFFF;
	(pc) =	sbr.abs _section_cstart, $3  }
0xc7: {  	[dreg:$0x1] =	wrdreg $0xFFFFFFFF  }
0xc8: {  	_ =	task.clear_ibuf [dreg:s8], $0x2FFFF;
	_ =	strace $0x9FFFFFFF  }
0xc9: {  	(tm) =	ssettm $0x7FFFFFFF  }
tec
execute0_lowered:
.L_overlay_start_1:
0x0: {  	(tag) =	ssettag $0x1  }
0x1: {  	s1 =	rddreg [dreg:$0x0]  }
0x2: {  	s2 =	srdreg.scid;
	s0 =	stileid.u32  }
0x3: {  	s4 =	rddreg [dreg:$0x1];
	s18 =	sand.u32 $0x1, s2;
	s30 =	sshll.u32 s0, $0x1  }
0x4: {  	s19 =	rddreg [dreg:$0x2];
	s20 =	sor.u32 s18, s30  }
0x5: {  	s3 =	simm.s32 $0x0;
	s2 =	rddreg [dreg:$0x3];
	s5 =	smul.u32 $0x48, s20  }
0x6: {  	[smem:$0x7FF] =	sst s3  }
0x7: {  	_ =	strace $0x80000047;
	s5 =	sadd.s32 s4, s5;
	s4 =	simm.s32 $0x2  }
0x8: {  	[tilespmem:s3], [sflag:$0x2] =	stream.linear.gather [hbm4b:s5+s3], $0x240, $0x38;
	[tilespmem:$0x9240] =	vst v63  }
0x9: {  	_ =	swait.ge [sflag:s4], $0x240  }
0xa: {  	[sflag:s4] =	ssyncset.done $0x0  }
0xb: {  	s6 =	simm.s32 $0x60;
	s7 =	simm.s32 $0x240;
	[sflag:s4] =	ssyncadd.s32 $0xFFFFFDC0  }
0xc: {  	[tilespmem:s7], [sflag:$0x1] =	stream.indirect.gather [hbm4b:s1+s6], $0x40, s3, s6, $0xb8;
	[tilespmem:$0x9240] =	vst v63  }
0xd: {  	s8 =	simm.s32 $0x1A40  }
0xe: {  	[tilespmem:s8], [sflag:$0x1] =	stream.indirect.gather [hbm4b:s1+s6], $0x40, s6, s6, $0xb8;
	[tilespmem:$0x9240] =	vst v63  }
0xf: {  	s9 =	simm.s32 $0xC0;
	s10 =	simm.s32 $0x3240  }
0x10: {  	[tilespmem:s10], [sflag:$0x1] =	stream.indirect.gather [hbm4b:s1+s6], $0x40, s9, s6, $0xb8;
	[tilespmem:$0x9240] =	vst v63  }
0x11: {  	s11 =	simm.s32 $0x120;
	s12 =	simm.s32 $0x4A40  }
0x12: {  	[tilespmem:s12], [sflag:$0x1] =	stream.indirect.gather [hbm4b:s1+s6], $0x40, s11, s6, $0xb8;
	[tilespmem:$0x9240] =	vst v63  }
0x13: {  	s13 =	simm.s32 $0x180;
	s14 =	simm.s32 $0x6240  }
0x14: {  	[tilespmem:s14], [sflag:$0x1] =	stream.indirect.gather [hbm4b:s1+s6], $0x40, s13, s6, $0xb8;
	[tilespmem:$0x9240] =	vst v63  }
0x15: {  	s15 =	simm.s32 $0x1E0;
	s16 =	simm.s32 $0x7A40;
	s17 =	simm.s32 $0x1  }
0x16: {  	[tilespmem:s16], [sflag:$0x1] =	stream.indirect.gather [hbm4b:s1+s6], $0x40, s15, s6, $0xb8;
	[tilespmem:$0x9240] =	vst v63  }
0x17: {  	_ =	swait.ge [sflag:s17], $0x1800  }
0x18: {  	[sflag:s17] =	ssyncset.done $0x0  }
0x19: {  	[sflag:s17] =	ssyncadd.s32 $0xFFFFE800  }
0x1a: {  	_ =	swait.ge [sflag:s17], $0x1800  }
0x1b: {  	[sflag:s17] =	ssyncset.done $0x0  }
0x1c: {  	[sflag:s17] =	ssyncadd.s32 $0xFFFFE800  }
0x1d: {  	_ =	swait.ge [sflag:s17], $0x1800  }
0x1e: {  	[sflag:s17] =	ssyncset.done $0x0  }
0x1f: {  	[sflag:s17] =	ssyncadd.s32 $0xFFFFE800  }
0x20: {  	_ =	swait.ge [sflag:s17], $0x1800  }
0x21: {  	[sflag:s17] =	ssyncset.done $0x0  }
0x22: {  	s18 =	ssub.s32 $0x2, s18;
	[sflag:s17] =	ssyncadd.s32 $0xFFFFE800  }
0x23: {  	s21 =	sshrl.u32 s18, $0x1;
	_ =	swait.ge [sflag:s17], $0x1800  }
0x24: {  	s21 =	ssub.s32 s18, s21;
	[sflag:s17] =	ssyncset.done $0x0  }
0x25: {  	s31 =	smax.u32 s21, $0x1;
	[sflag:s17] =	ssyncadd.s32 $0xFFFFE800  }
0x26: {  	s20 =	smul.u32 $0x1200, s20;
	p0 =	sne.s32 s31, $0x1;
	_ =	swait.ge [sflag:s17], $0x1800  }
.Ltmp0:
0x27: {  	[sflag:s17] =	ssyncset.done $0x0;
	(pc) =	sbr.rel @!p0 .LBB2_2-.Ltmp0, $4  }
0x28: {  	s18 =	sadd.s32 s19, s20;
	[sflag:s17] =	ssyncadd.s32 $0xFFFFE800  }
0x29: {  	[hbm4b:s18+s3] =	stream.linear.scatter [tilespmem:s7], [sflag:$0x2], $0x9000, $0x38;
	[tilespmem:$0x9240] =	vst v63  }
0x2a: {  	_ =	swait.ge [sflag:s4], $0x9000  }
0x2b: {  	s19 =	sadd.s32 $0xFFFFFFFF, s31;
	[sflag:s4] =	ssyncset.done $0x0  }
.LBB2_1:
0x2c: {  	p0 =	sne.s32 s19, $0x1;
	s19 =	sadd.s32 $0xFFFFFFFF, s19;
	[sflag:s4] =	ssyncadd.s32 $0xFFFF7000  }
0x2d: {  	[tilespmem:s3], [sflag:$0x2] =	stream.linear.gather [hbm4b:s5+s3], $0x240, $0x38;
	[tilespmem:$0x9240] =	vst v63  }
0x2e: {  	_ =	swait.ge [sflag:s4], $0x240  }
0x2f: {  	[sflag:s4] =	ssyncset.done $0x0  }
0x30: {  	[sflag:s4] =	ssyncadd.s32 $0xFFFFFDC0  }
0x31: {  	[tilespmem:s7], [sflag:$0x1] =	stream.indirect.gather [hbm4b:s1+s6], $0x40, s3, s6, $0xb8;
	[tilespmem:$0x9240] =	vst v63  }
0x32: {  	_ = 	snop  }
0x33: {  	[tilespmem:s8], [sflag:$0x1] =	stream.indirect.gather [hbm4b:s1+s6], $0x40, s6, s6, $0xb8;
	[tilespmem:$0x9240] =	vst v63  }
0x34: {  	_ = 	snop  }
0x35: {  	[tilespmem:s10], [sflag:$0x1] =	stream.indirect.gather [hbm4b:s1+s6], $0x40, s9, s6, $0xb8;
	[tilespmem:$0x9240] =	vst v63  }
0x36: {  	_ = 	snop  }
0x37: {  	[tilespmem:s12], [sflag:$0x1] =	stream.indirect.gather [hbm4b:s1+s6], $0x40, s11, s6, $0xb8;
	[tilespmem:$0x9240] =	vst v63  }
0x38: {  	_ = 	snop  }
0x39: {  	[tilespmem:s14], [sflag:$0x1] =	stream.indirect.gather [hbm4b:s1+s6], $0x40, s13, s6, $0xb8;
	[tilespmem:$0x9240] =	vst v63  }
0x3a: {  	_ = 	snop  }
0x3b: {  	[tilespmem:s16], [sflag:$0x1] =	stream.indirect.gather [hbm4b:s1+s6], $0x40, s15, s6, $0xb8;
	[tilespmem:$0x9240] =	vst v63  }
0x3c: {  	_ =	swait.ge [sflag:s17], $0x1800  }
0x3d: {  	[sflag:s17] =	ssyncset.done $0x0  }
0x3e: {  	[sflag:s17] =	ssyncadd.s32 $0xFFFFE800  }
0x3f: {  	_ =	swait.ge [sflag:s17], $0x1800  }
0x40: {  	[sflag:s17] =	ssyncset.done $0x0  }
0x41: {  	[sflag:s17] =	ssyncadd.s32 $0xFFFFE800  }
0x42: {  	_ =	swait.ge [sflag:s17], $0x1800  }
0x43: {  	[sflag:s17] =	ssyncset.done $0x0  }
0x44: {  	[sflag:s17] =	ssyncadd.s32 $0xFFFFE800  }
0x45: {  	_ =	swait.ge [sflag:s17], $0x1800  }
0x46: {  	[sflag:s17] =	ssyncset.done $0x0  }
0x47: {  	[sflag:s17] =	ssyncadd.s32 $0xFFFFE800  }
0x48: {  	_ =	swait.ge [sflag:s17], $0x1800  }
0x49: {  	[sflag:s17] =	ssyncset.done $0x0  }
0x4a: {  	[sflag:s17] =	ssyncadd.s32 $0xFFFFE800  }
0x4b: {  	_ =	swait.ge [sflag:s17], $0x1800  }
.Ltmp1:
0x4c: {  	[sflag:s17] =	ssyncset.done $0x0;
	(pc) =	sbr.rel @p0 .LBB2_1-.Ltmp1, $4  }
0x4d: {  	[sflag:s17] =	ssyncadd.s32 $0xFFFFE800  }
0x4e: {  	[hbm4b:s18+s3] =	stream.linear.scatter [tilespmem:s7], [sflag:$0x2], $0x9000, $0x38;
	[tilespmem:$0x9240] =	vst v63  }
0x4f: {  	_ =	swait.ge [sflag:s4], $0x9000  }
0x50: {  	[sflag:s4] =	ssyncset.done $0x0  }
.LBB2_2:
0x51: {  	[sflag:s4] =	ssyncadd.s32 $0xFFFF7000  }
0x52: {  	_ =	sfence.sel $0x180000  }
0x53: {  	[bflag:$0x0] =	sbarrier.arrive $0xFFFF  }
0x54: {  	p0 =	sne.s32 s0, $0x0;
	_ =	strace $0x90000047  }
0x55: {  	s0 =	sadd.s32 @!p0 $0x100000, s2;
	[bflag:$0x2] =	sbarrier.arrive $0xFFFF  }
0x56: {  	[sflag:s0] =	ssyncadd.tile.s32 @!p0 $0x1;
	_ =	shalt  }
.Lfunc_end2:
_tile_overlayer_lowered:
.L_overlay_start_2:
0x57: {  	(tag) =	ssettag $0x2  }
0x58: {  	s0 =	rddreg [dreg:$0x0];
	s2 =	stileid.u32  }
0x59: {  	s1 =	rddreg [dreg:$0x1];
	p0 =	sne.s32 s2, $0x0  }
0x5a: {  	s3 =	rddreg [dreg:$0x2];
	[bflag:$0x3] =	sbarrier.arrive $0xFFFF;
	s2 =	simm.s32 @!p0 $0x1C02  }
0x5b: {  	[timem:s3], [sflag:s2] =	dma.local @!p0 [hbm:s0], s1  }
0x5c: {  	s0 =	simm.s32 @!p0 $0x2  }
0x5d: {  	_ =	swait.ge @!p0 [sflag:s0], s1  }
0x5e: {  	s1 =	ssub.s32 @!p0 $0x0, s1;
	[sflag:s0] =	ssyncset.done @!p0 $0x0  }
0x5f: {  	[sflag:s0] =	ssyncadd.s32 @!p0 s1  }
0x60: {  	[bflag:$0x3] =	sbarrier.arrive $0xFFFF  }
0x61: {  	_ =	shalt  }

</sc_bundles>
